<compile_context>
chip_gen: v7x
topology: tpu7x:2x2x1
jax: 0.10.2.dev20260603
libtpu: 0.0.44.dev20260713+nightly
codegen_flags: <defaults>
</compile_context>

<pallas_src>
import functools

import jax
import jax.numpy as jnp
from jax import lax
from jax.experimental import pallas as pl
from jax.experimental.pallas import tpu as pltpu
from jax.experimental.pallas import tpu_sc as plsc

B = 4096
L = 200
D = 64
SCALE = float(D) ** 0.5
PAD = 0
V = 1000001

_info = plsc.get_sparse_core_info()
NC = _info.num_cores
NS = _info.num_subcores
NW = NC * NS
BBLK = B // NW
NBUF = 3
CL = 2
LANES = 16
LT, LW = L // 8, 8
DT, DW = D // 8, 8

TBLK = 4096
HALF = ((V // 2 + TBLK) // TBLK) * TBLK
GPITCH = 65
PACKROWS = 2 * HALF


def _pack_body(lo_ref, hi_ref, out_ref):
    r = lax.broadcasted_iota(jnp.int32, (D, D), 0)
    c = lax.broadcasted_iota(jnp.int32, (D, D), 1)
    eye = (r == c).astype(jnp.float32)
    dn = (((0,), (0,)), ((), ()))
    lo_t = lax.dot_general(lo_ref[...], eye, dn,
                           preferred_element_type=jnp.float32)
    hi_t = lax.dot_general(hi_ref[...], eye, dn,
                           preferred_element_type=jnp.float32)
    out_ref[...] = jnp.concatenate([lo_t, hi_t], axis=1)


@jax.jit
def _tc_pack_table(item_emb):
    item_t = item_emb.T
    nk = HALF // TBLK
    last_blk = (V - 1) // TBLK
    packed = pl.pallas_call(
        _pack_body,
        grid=(nk,),
        in_specs=[
            pl.BlockSpec((D, TBLK), lambda k: (0, k)),
            pl.BlockSpec((D, TBLK),
                         lambda k, _nk=nk, _lb=last_blk:
                         (0, jnp.minimum(_nk + k, _lb))),
        ],
        out_specs=pl.BlockSpec((TBLK, 2 * D), lambda k: (k, 0)),
        out_shape=jax.ShapeDtypeStruct((HALF, 2 * D), jnp.float32),
    )(item_t, item_t)
    return packed.reshape(PACKROWS, D)


def _sc_embed_body(idx4_hbm, item_hbm, pos_hbm, out_hbm,
                   pos_v, g2s, idx0, idx1, idx2, g0, g1, g2, ob0, ob1, ob2,
                   isem0, isem1, isem2, gsem0, gsem1, gsem2,
                   wsem0, wsem1, wsem2):
    idxb = [idx0, idx1, idx2]
    gbuf = [g0, g1, g2]
    obuf = [ob0, ob1, ob2]
    isem = [isem0, isem1, isem2]
    gsem = [gsem0, gsem1, gsem2]
    wsem = [wsem0, wsem1, wsem2]

    w = lax.axis_index("s") * NC + lax.axis_index("c")

    pltpu.sync_copy(pos_hbm, pos_v)

    def start_idx(s, b):
        l0 = s * CL
        pltpu.async_copy(idx4_hbm.at[l0 // LW, w, pl.ds(l0 % LW, CL)],
                         idxb[b], isem[b])

    def start_gather(b):
        pltpu.make_async_copy(idx4_hbm.at[0, 0, pl.ds(0, CL)], idxb[b],
                              isem[b]).wait()
        for c in range(CL):
            for j in range(BBLK // LANES):
                sl = pl.ds(j * LANES, LANES)
                r = idxb[b][c, sl]
                idxb[b][c, sl] = r * 2 - jnp.where(
                    r < HALF, jnp.int32(0), jnp.int32(2 * HALF - 1))
        for c in range(CL):
            pltpu.async_copy(item_hbm.at[idxb[b].at[c]], gbuf[b].at[c],
                             gsem[b])

    def drain_gather(b):
        for c in range(CL):
            pltpu.make_async_copy(item_hbm.at[pl.ds(0, BBLK)],
                                  gbuf[b].at[c], gsem[b]).wait()

    def start_write(s, b):
        l0 = s * CL
        for c in range(CL):
            for dt in range(DT):
                pltpu.async_copy(obuf[b].at[c, dt],
                                 out_hbm.at[l0 + c, dt, w], wsem[b])

    def drain_write(b):
        for c in range(CL):
            for dt in range(DT):
                pltpu.make_async_copy(obuf[b].at[c, dt],
                                      out_hbm.at[0, dt, 0], wsem[b]).wait()

    def compute(s, b):
        row16 = lax.iota(jnp.int32, LANES)
        rows_j = [row16 + j * LANES for j in range(BBLK // LANES)]
        l0 = s * CL
        for c in range(CL):
            pv = [pos_v[l0 + c, pl.ds(k * LANES, LANES)]
                  for k in range(D // LANES)]

            def stage_body(bw, c=c, pv=pv):
                for k in range(D // LANES):
                    sl = pl.ds(k * LANES, LANES)
                    g2s[bw, sl] = gbuf[b][c, bw, sl] * SCALE + pv[k]

            plsc.parallel_loop(0, BBLK, 1, unroll=4)(stage_body)

            def d_body(d, c=c):
                dt = d // DW
                dw = d % DW
                cols = jnp.full((LANES,), d, jnp.int32)
                for j in range(BBLK // LANES):
                    vals = plsc.load_gather(g2s, [rows_j[j], cols])
                    obuf[b][c, dt, dw, pl.ds(j * LANES, LANES)] = vals

            plsc.parallel_loop(0, D, 1, unroll=2)(d_body)

    NS_SLOTS = L // CL

    for p in range(NBUF):
        start_idx(p, p)
    for p in range(NBUF - 1):
        start_gather(p)

    def step(s, b, o):
        @pl.when(s + NBUF - 1 < NS_SLOTS)
        def _():
            start_gather((b + NBUF - 1) % NBUF)

        drain_gather(b)

        @pl.when(o > 0)
        def _():
            drain_write(b)

        compute(s, b)
        start_write(s, b)

        @pl.when(s + NBUF < NS_SLOTS)
        def _():
            start_idx(s + NBUF, b)

    def outer(o, carry):
        for b in range(NBUF):
            step(o * NBUF + b, b, o)
        return carry

    lax.fori_loop(0, NS_SLOTS // NBUF, outer, 0)

    REM = NS_SLOTS % NBUF
    for t in range(REM):
        s = NS_SLOTS - REM + t
        b = s % NBUF
        drain_gather(b)
        drain_write(b)
        compute(s, b)
        start_write(s, b)

    for b in range(NBUF):
        drain_write(b)


@jax.jit
def _sc_embed(log_seqs, item_emb, pos_emb):
    idx4 = log_seqs.reshape(B // 128, 128, LT, LW).transpose(2, 0, 3, 1)
    item_packed = _tc_pack_table(item_emb)
    kern = functools.partial(
        pl.kernel,
        out_type=jax.ShapeDtypeStruct((L, DT, NW, DW, 128), jnp.float32),
        mesh=plsc.VectorSubcoreMesh(core_axis_name="c", subcore_axis_name="s"),
        compiler_params=pltpu.CompilerParams(use_tc_tiling_on_sc=False,
                                             needs_layout_passes=False),
        scratch_types=[
            pltpu.VMEM((L, D), jnp.float32),
            pltpu.VMEM((BBLK, GPITCH), jnp.float32),
            pltpu.VMEM((CL, 128), jnp.int32),
            pltpu.VMEM((CL, 128), jnp.int32),
            pltpu.VMEM((CL, 128), jnp.int32),
            pltpu.VMEM((CL, BBLK, D), jnp.float32),
            pltpu.VMEM((CL, BBLK, D), jnp.float32),
            pltpu.VMEM((CL, BBLK, D), jnp.float32),
            pltpu.VMEM((CL, DT, DW, 128), jnp.float32),
            pltpu.VMEM((CL, DT, DW, 128), jnp.float32),
            pltpu.VMEM((CL, DT, DW, 128), jnp.float32),
            pltpu.SemaphoreType.DMA,
            pltpu.SemaphoreType.DMA,
            pltpu.SemaphoreType.DMA,
            pltpu.SemaphoreType.DMA,
            pltpu.SemaphoreType.DMA,
            pltpu.SemaphoreType.DMA,
            pltpu.SemaphoreType.DMA,
            pltpu.SemaphoreType.DMA,
            pltpu.SemaphoreType.DMA,
        ],
    )(_sc_embed_body)
    out5 = kern(idx4, item_packed, pos_emb)
    return out5.transpose(2, 4, 0, 1, 3).reshape(B, L, D)


def _mask_body(seq_ref, mask_ref):
    mask_ref[...] = seq_ref[...] == PAD


@jax.jit
def _tc_mask(log_seqs):
    return pl.pallas_call(
        _mask_body,
        out_shape=jax.ShapeDtypeStruct((B, L), jnp.bool_),
    )(log_seqs)


def kernel(log_seqs, item_emb, pos_emb):
    log_seqs = log_seqs.astype(jnp.int32)
    seqs = _sc_embed(log_seqs, item_emb, pos_emb)
    mask = _tc_mask(log_seqs)
    return seqs, mask

# --- scband reference (transcript-rebuilt; emitter-appended) ---
"""Pipeline reference for scband-embedding-77446850282048 (READ-ONLY COPY).

The authoritative reference and input builder live on the scoring server;
editing this copy changes nothing except your own understanding.
"""

import jax, jax.numpy as jnp
import numpy as np

NUM_ITEMS = 1000000
D = 64          # trm_hidden_dim
MAX_LEN = 200   # trm_max_len
PAD = 0         # pad_token
B = 4096
L = 200


def setup_inputs(seed: int = 0) -> dict:
    key = jax.random.key(seed)
    k1, k2, k3 = jax.random.split(key, 3)
    log_seqs = jax.random.randint(k1, (B, L), 0, NUM_ITEMS, dtype=jnp.int64 if jax.config.jax_enable_x64 else jnp.int32)
    item_emb = jax.random.normal(k2, (NUM_ITEMS + 1, D), dtype=jnp.float32) * 0.02
    # padding_idx row is zero-initialized in torch.nn.Embedding
    item_emb = item_emb.at[PAD].set(0.0)
    pos_emb = jax.random.normal(k3, (MAX_LEN, D), dtype=jnp.float32) * 0.02
    return {"log_seqs": log_seqs, "item_emb": item_emb, "pos_emb": pos_emb}


def reference(log_seqs, item_emb, pos_emb):
    # seqs = self.item_emb(log_seqs)
    seqs = jnp.take(item_emb, log_seqs, axis=0)
    # seqs *= hidden_dim ** 0.5
    seqs = seqs * (D ** 0.5)
    # positions = arange(L).unsqueeze(0).repeat(B, 1); seqs += pos_emb(positions)
    positions = jnp.arange(L)
    pos = jnp.take(pos_emb, positions, axis=0)  # [L, D]
    seqs = seqs + pos[None, :, :]
    # dropout p=0.0 -> identity (eval/inference semantics)
    timeline_mask = (log_seqs == PAD)
    return seqs, timeline_mask

if __name__ == "__main__":
    import jax
    _d = setup_inputs()
    print(jax.jit(kernel)(*tuple(_d.values())))

</pallas_src>

<mosaic_0001>
module attributes {stable_mosaic.version = 14 : i64} {
  func.func @_pack_body(%arg0: i32, %arg1: memref<64x4096xf32, #tpu.memory_space<vmem>>, %arg2: memref<64x4096xf32, #tpu.memory_space<vmem>>, %arg3: memref<4096x128xf32, #tpu.memory_space<vmem>>) attributes {dimension_semantics = [#tpu.dimension_semantics<arbitrary>], iteration_bounds = array<i64: 123>, scalar_prefetch = 0 : i64, scratch_operands = 0 : i64, tpu.core_type = #tpu.core_type<tc>, window_params = [{transform_indices = @transform_0, window_bounds = array<i64: 64, 4096>}, {transform_indices = @transform_1, window_bounds = array<i64: 64, 4096>}, {transform_indices = @transform_2, window_bounds = array<i64: 4096, 128>}]} {
    %iota3A = tpu.iota {dimensions = array<i32: 0>} : vector<64x64xi32>
    %iota3A_0 = tpu.iota {dimensions = array<i32: 1>} : vector<64x64xi32>
    %eq3A = arith.cmpi eq, %iota3A, %iota3A_0 : vector<64x64xi32>
    %convert_element_type3A = arith.extui %eq3A : vector<64x64xi1> to vector<64x64xi32>
    %convert_element_type3A_1 = arith.sitofp %convert_element_type3A : vector<64x64xi32> to vector<64x64xf32>
    %get3A = arith.constant 0 : index
    %get3A_2 = arith.constant 0 : index
    %get3A_3 = vector.load %arg1[%get3A, %get3A_2] : memref<64x4096xf32, #tpu.memory_space<vmem>>, vector<64x4096xf32>
    %dot_general3A = arith.constant dense<0.000000e+00> : vector<4096x64xf32>
    %dot_general3A_4 = tpu.matmul %get3A_3, %convert_element_type3A_1, %dot_general3A {dimension_numbers = #tpu.dot_dimension_numbers<[0], [0], [1], [1], [0, 1, 1, 1], [], []>, transpose_lhs_hint = false} : vector<64x4096xf32>, vector<64x64xf32>, vector<4096x64xf32> -> vector<4096x64xf32>
    %get3A_5 = arith.constant 0 : index
    %get3A_6 = arith.constant 0 : index
    %get3A_7 = vector.load %arg2[%get3A_5, %get3A_6] : memref<64x4096xf32, #tpu.memory_space<vmem>>, vector<64x4096xf32>
    %dot_general3A_8 = arith.constant dense<0.000000e+00> : vector<4096x64xf32>
    %dot_general3A_9 = tpu.matmul %get3A_7, %convert_element_type3A_1, %dot_general3A_8 {dimension_numbers = #tpu.dot_dimension_numbers<[0], [0], [1], [1], [0, 1, 1, 1], [], []>, transpose_lhs_hint = false} : vector<64x4096xf32>, vector<64x64xf32>, vector<4096x64xf32> -> vector<4096x64xf32>
    %concatenate3A = tpu.concatenate %dot_general3A_4, %dot_general3A_9 in 1 : vector<4096x64xf32>, vector<4096x64xf32> -> vector<4096x128xf32>
    %swap3A = arith.constant 0 : index
    %swap3A_10 = arith.constant 0 : index
    %swap3A_11 = vector.load %arg3[%swap3A, %swap3A_10] : memref<4096x128xf32, #tpu.memory_space<vmem>>, vector<4096x128xf32>
    tpu.vector_store %arg3[%swap3A, %swap3A_10], %concatenate3A {strides = array<i32>} : memref<4096x128xf32, #tpu.memory_space<vmem>>, vector<4096x128xf32>,
    return
  }
  func.func @transform_0(%arg0: i32) -> (i32, i32) {
    %c0_i32 = arith.constant 0 : i32
    %c0_i32_0 = arith.constant 0 : i32
    return %c0_i32, %arg0 : i32, i32
  }
  func.func @transform_1(%arg0: i32) -> (i32, i32) {
    %add3A = arith.constant 123 : i32
    %add3A_0 = arith.addi %add3A, %arg0 : i32
    %min3A = arith.constant 244 : i32
    %min3A_1 = arith.minsi %add3A_0, %min3A : i32
    %c0_i32 = arith.constant 0 : i32
    %c0_i32_2 = arith.constant 0 : i32
    return %c0_i32, %min3A_1 : i32, i32
  }
  func.func @transform_2(%arg0: i32) -> (i32, i32) {
    %c0_i32 = arith.constant 0 : i32
    %c0_i32_0 = arith.constant 0 : i32
    return %arg0, %c0_i32 : i32, i32
  }
}

</mosaic_0001>

<sc_bundles>
// kernel: sparse-core-data-format-call.cloned.1.call-start
scs
called_computation_lowered:
.L_overlay_start_0:
0x0: {  	s2 =	sld [smem:$0x3FD9]  }
0x1: {  	s3 =	sld [smem:$0x3FFE];
	_ =	sdelay $0x1  }
0x2: {  	s1 =	srdreg.scid  }
0x3: {  	s0 =	sand.u32 $0x1, s1  }
0x4: {  	s18 =	sshll.u32 s0, $0xA;
	s2 =	sadd.s32 s3, s2  }
0x5: {  	s2 =	sadd.s32 s2, s18  }
0x6: {  	[smem:$0x3FC7] =	sst s2  }
0x7: {  	_ = 	snop  }
0x8: {  	s2 =	sld [smem:$0x3FD0];
	(tm) =	ssettm $0x1  }
0x9: {  	s19 =	sld [smem:$0x3FFB];
	_ =	sdelay $0x3  }
0xa: {  	_ =	strace s19  }
0xb: {  	s3 =	sld [smem:$0x3FFC];
	_ =	sdelay $0x3  }
0xc: {  	_ =	strace s3  }
0xd: {  	s3 =	sld [smem:$0x3FFD];
	_ =	sdelay $0x3  }
0xe: {  	_ =	strace s3  }
0xf: {  	_ =	strace $0x8FFFFFFF  }
0x10: {  	s20 =	sld [smem:$0x3FDB];
	_ =	sdelay $0x1  }
0x11: {  	s4 =	simm.s32 $_scs_section_size  }
0x12: {  	s5 =	simm.s32 $_size__tile_overlayer_lowered;
	s6 =	simm.s32 $_tile_overlayer_lowered  }
0x13: {  	s23 =	simm.s32 $0x1BFF;
	s22 =	sshll.u32 s6, $0x1;
	s3 =	sadd.s32 s4, s20  }
0x14: {  	s7 =	simm.s32 $0x0;
	s21 =	sshll.u32 s5, $0x1;
	s5 =	sadd.s32 s22, s3  }
0x15: {  	[timem:s7], [sflag:s23] =	dma.local [hbm:s5], s21  }
0x16: {  	_ =	swait.ge [sflag:s23], s21  }
0x17: {  	s4 =	ssub.s32 $0x0, s21;
	[sflag:s23] =	ssyncset.done $0x0  }
0x18: {  	[sflag:s23] =	ssyncadd.s32 s4;
	_ =	sdelay $0x1  }
0x19: {  	s24 =	simm.s32 $0x1B8B  }
0x1a: {  	_ =	swait.ge [sflag:s24], $0x1  }
0x1b: {  	[sflag:s24] =	ssyncset.done $0x0  }
0x1c: {  	s26 =	simm.s32 $0x1B8E;
	s25 =	sld [smem:$0x3FFE];
	[sflag:s24] =	ssyncadd.s32 $0xFFFFFFFF  }
0x1d: {  	s27 =	simm.s32 $execute0_lowered;
	[smem:$0x3FD2] =	sst s26  }
0x1e: {  	s5 =	sshll.u32 s27, $0x1;
	_ =	strace $0x80000046;
	[dreg:$0x1] =	wrdreg $0xFFFFFFFF  }
0x1f: {  	s28 =	simm.s32 $_size_execute0_lowered;
	s3 =	sadd.s32 s3, s5;
	[dreg:$0x0] =	wrdreg $0x0  }
0x20: {  	s5 =	sshll.u32 s28, $0x1;
	[dreg:$0x2] =	wrdreg s3  }
0x21: {  	[dreg:$0x3] =	wrdreg s5  }
0x22: {  	[dreg:$0x4] =	wrdreg $0xC0  }
0x23: {  	_ =	task [dreg:s7], $0x5FFFF  }
0x24: {  	[dreg:$0x1] =	wrdreg $0xFFFFFFFF  }
0x25: {  	[dreg:$0x0] =	wrdreg $0x60  }
0x26: {  	[dreg:$0x2] =	wrdreg s25  }
0x27: {  	[dreg:$0x3] =	wrdreg s2  }
0x28: {  	[dreg:$0x4] =	wrdreg $0x9  }
0x29: {  	_ =	task.clear_ibuf [dreg:s7], $0x5FFFF;
	_ =	strace $0x90000046  }
0x2a: {  	s29 =	simm.s32 $0x9;
	_ =	strace $0x80000048  }
0x2b: {  	_ =	swait.ge [sflag:s29], $0x1  }
0x2c: {  	[sflag:s29] =	ssyncadd.s32 $0xFFFFFFFF  }
0x2d: {  	_ =	strace $0x90000048  }
0x2e: {  	_ =	sfence  }
0x2f: {  	s30 =	sld [smem:$0x0];
	_ =	sdelay $0x2  }
0x30: {  	s31 =	sshll.u32 s1, $0xD;
	s1 =	sshrl.u32 s1, $0x2  }
0x31: {  	s3 =	sand.u32 $0x4000, s31;
	s1 =	sadd.s32 s1, s30  }
0x32: {  	s0 =	sor.u32 s3, s0;
	s1 =	sshll.u32 s1, $0x11  }
0x33: {  	s0 =	sor.u32 s1, s0  }
0x34: {  	s0 =	sadd.s32 $0x8F2B, s0  }
0x35: {  	[sflag:s0] =	ssyncadd.remote.s32 $0x1  }
0x36: {  	_ =	sfence.sel $0xFFFF  }
0x37: {  	[dreg:$0x0] =	wrdreg $0xFFFFFFFF;
	(pc) =	sbr.abs _section_cstart, $3  }
0x38: {  	[dreg:$0x1] =	wrdreg $0xFFFFFFFF  }
0x39: {  	_ =	task.clear_ibuf [dreg:s7], $0x2FFFF;
	_ =	strace $0x9FFFFFFF  }
0x3a: {  	(tm) =	ssettm $0x7FFFFFFF  }
0x3b: {  	_ =	shalt  }
tec
execute0_lowered:
.L_overlay_start_1:
0x0: {  	(tag) =	ssettag $0x1  }
0x1: {  	s0 =	srdreg.scid  }
0x2: {  	s1 =	sshll.u32 s0, $0x4  }
0x3: {  	s4 =	rddreg [dreg:$0x0];
	s0 =	stileid.u32;
	s1 =	sand.u32 $0x10, s1  }
0x4: {  	s2 =	rddreg [dreg:$0x1];
	s7 =	simm.s32 $0x1;
	s1 =	sor.u32 s0, s1  }
0x5: {  	s8 =	simm.s32 $0x2;
	s11 =	simm.s32 $0x0;
	s3 =	sshll.u32 s1, $0x7  }
0x6: {  	s10 =	simm.s32 $0x0;
	s4 =	sadd.s32 $0x400, s4;
	s6 =	ssub.s32 $0xF6000, s3  }
.Ltmp0:
0x7: {  	s1 =	rddreg [dreg:$0x2];
	s5 =	sand.u32 $0xF80, s6;
	(pc) =	sbr.rel .LBB1_1-.Ltmp0, $4  }
0x8: {  	_ =	strace $0x80000047;
	s9 =	smov.u32 s3;
	p0 =	sne.s32 s5, $0x0  }
0x9: {  	s6 =	sshrl.u32 s6, $0xC;
	s5 =	simm.s32 $0x1;
	s7 =	simm.s32 @!p0 $0x0  }
0xa: {  	[sflag:s5] =	ssyncpa.u1 $0x0;
	p0 =	por $0x0, $0x0;
	s6 =	sadd.s32 s7, s6  }
0xb: {  	[sflag:s8] =	ssyncpa.u1 $0x0;
	s8 =	simm.s32 $0x7B0000;
	s7 =	sadd.s32 $0x1, s6  }
.LBB1_4:
0xc: {  	s14 =	sshll.u32 s11, $0x3  }
0xd: {  	s15 =	sshrl.u32 s14, $0xD  }
0xe: {  	s15 =	smulhi.u32 $0x214D022, s15;
	_ =	sdelay $0x1  }
0xf: {  	s28 =	sand.u32 $0x7F, s11;
	s14 =	sand.u32 $0xFFFFFC00, s14;
	s16 =	smul.u32 $0xF6000, s15  }
0x10: {  	s11 =	sor.u32 s28, s14;
	s29 =	sand.u32 $0x3F, s15  }
0x11: {  	s14 =	smul.u32 $0x1EC00, s29;
	s11 =	ssub.s32 s11, s16  }
0x12: {  	[tilespmem:s13+$0x810 ss:$0x81] =	vst.msk $0xffff, v2;
	s30 =	sand.u32 $0x7, s11  }
0x13: {  	[tilespmem:s13+$0x1020 ss:$0x81] =	vst.msk $0xffff, v0;
	s11 =	sshrl.u32 s11, $0x3;
	s14 =	sadd.s32 s2, s14;
	s15 =	sshll.u32 s30, $0x12  }
0x14: {  	[tilespmem:s13+$0x0 ss:$0x81] =	vst.msk $0xffff, v1;
	s11 =	sadd.s32 s11, s14;
	s31 =	sor.u32 $0x400, s15  }
0x15: {  	[hbm4b:s11+s31] =	stream.strided.scatter [tilespmem:s12], [sflag:$0x2], $0x2000, s8, s31, $0x20;
	[tilespmem:$0x8080] =	vst v63  }
.LBB1_5:
0x16: {  	s13 =	sadd.s32 $0x1000, s9  }
0x17: {  	p2 =	sgt.s32 s13, $0xF5FFF  }
0x18: {  	s13 =	smov.u32 @p2 s3;
	p2 =	sne.s32 s10, s7  }
.Ltmp1:
0x19: {  	p1 =	slt.u32 s10, $0x2;
	(pc) =	sbr.rel @!p2 .LBB1_6-.Ltmp1, $4  }
0x1a: {  	s12 =	simm.s32 @!p1 $0x2  }
0x1b: {  	s14 =	sadd.s32 $0x1, s10;
	_ =	swait.ge @!p1 [sflag:s12], $0x2000  }
0x1c: {  	s11 =	smov.u32 s9;
	p0 =	por !p0, !p0;
	[sflag:s12] =	ssyncset.done @!p1 $0x0  }
0x1d: {  	s10 =	smov.u32 s14;
	s9 =	smov.u32 s13;
	[sflag:s12] =	ssyncadd.s32 @!p1 $0xFFFFE000  }
.LBB1_1:
0x1e: {  	p1 =	sge.u32 s10, s6  }
0x1f: {  	s12 =	sand.u32 @!p1 $0x1FFFFFF, s9  }
0x20: {  	s13 =	smulhi.u32 @!p1 $0x10A6811, s12;
	_ =	sdelay $0x1  }
0x21: {  	s13 =	sshrl.u32 @!p1 s13, $0xC  }
0x22: {  	s13 =	smul.u32 @!p1 $0xF6000, s13;
	_ =	sdelay $0x1  }
0x23: {  	s31 =	sadd.s32 $0xFFFFFFFF, s10;
	s14 =	sxor.u32 @!p1 $0xFFFFFFFF, s10;
	s12 =	ssub.s32 @!p1 s12, s13  }
0x24: {  	s15 =	simm.s32 @!p1 $0x80;
	s14 =	sshll.u32 @!p1 s14, $0xD;
	s12 =	sshll.u32 @!p1 s12, $0x4  }
0x25: {  	s13 =	sand.u32 @!p1 $0x2000, s14;
	s14 =	simm.s32 @!p1 $0x40;
	s12 =	sadd.s32 @!p1 s4, s12  }
0x26: {  	[tilespmem:s13], [sflag:$0x1] =	stream.strided.gather @!p1 [hbm4b:s12+s14], $0x2000, s15, s14, $0x38;
	[tilespmem:$0x8080] =	vst v63  }
0x27: {  	p1 =	sge.u32 s31, s6  }
.Ltmp2:
0x28: {  	_ = 	snop;
	(pc) =	sbr.rel @p1 .LBB1_5-.Ltmp2, $1  }
0x29: {  	_ =	sdelay $0x3  }
0x2a: {  	s12 =	simm.s32 $0x1  }
0x2b: {  	_ =	swait.ge [sflag:s5], $0x2000;
	s12 =	simm.s32 @!p0 $0x0  }
0x2c: {  	[sflag:s5] =	ssyncset.done $0x0;
	s13 =	sshll.u32 s12, $0xD  }
0x2d: {  	[sflag:s5] =	ssyncadd.s32 $0xFFFFE000;
	s16 =	sor.u32 $0x20, s13  }
0x2e: {  	s12 =	smul.u32 $0x8100, s12;
	v3 =	vld [tilespmem:s16+$0x10]  }
0x2f: {  	s30 =	sand.u32 $0x1, s10;
	v2 =	vld [tilespmem:s16+$0xFFFFFFF0]  }
0x30: {  	s13 =	smul.u32 $0x8100, s30;
	s12 =	sshrl.u32 s12, $0x2;
	v0 =	vld [tilespmem:s16+$0x0]  }
0x31: {  	v1 =	vld [tilespmem:s16+$0xFFFFFFE0];
	s14 =	sor.u32 $0x4000, s12  }
0x32: {  	s31 =	sshrl.u32 s13, $0x2;
	s13 =	sadd.s32 $0x0, s14  }
0x33: {  	s15 =	simm.s32 $0x4;
	s16 =	sadd.s32 $0x40, s16;
	s12 =	sor.u32 $0x4000, s31;
	[tilespmem:s13+$0x1830 ss:$0x81] =	vst.msk $0xffff, v3  }
.LBB1_3:
0x34: {  	v3 =	vld [tilespmem:s16+$0x10];
	p1 =	sne.s32 s15, $0x1FC;
	[tilespmem:s13+$0x810 ss:$0x81] =	vst.msk $0xffff, v2;
	s17 =	smov.u32 s15;
	s15 =	sadd.s32 $0x4, s15  }
.Ltmp3:
0x35: {  	v2 =	vld [tilespmem:s16+$0xFFFFFFF0];
	[tilespmem:s13+$0x1020 ss:$0x81] =	vst.msk $0xffff, v0;
	(pc) =	sbr.rel @p1 .LBB1_3-.Ltmp3, $4  }
0x36: {  	v0 =	vld [tilespmem:s16+$0x0];
	[tilespmem:s13+$0x0 ss:$0x81] =	vst.msk $0xffff, v1  }
0x37: {  	s13 =	sshra.s32 s17, $0x2;
	v1 =	vld [tilespmem:s16+$0xFFFFFFE0]  }
0x38: {  	s13 =	sadd.s32 s13, s14  }
0x39: {  	s16 =	sadd.s32 $0x40, s16;
	[tilespmem:s13+$0x1830 ss:$0x81] =	vst.msk $0xffff, v3  }
.Ltmp4:
0x3a: {  	_ = 	snop;
	(pc) =	sbr.rel .LBB1_4-.Ltmp4, $1  }
0x3b: {  	_ =	sdelay $0x3  }
.LBB1_6:
0x3c: {  	_ =	sfence.sel $0x180000  }
0x3d: {  	s2 =	simm.s32 $0x1;
	[bflag:$0x0] =	sbarrier.arrive $0xFFFF  }
0x3e: {  	s31 =	simm.s32 $0x2;
	[sflag:s2] =	ssyncpa.u1 $0x1  }
0x3f: {  	[sflag:s31] =	ssyncpa.u1 $0x1  }
0x40: {  	p0 =	sne.s32 s0, $0x0;
	_ =	strace $0x90000047  }
0x41: {  	s0 =	sadd.s32 @!p0 $0x100000, s1;
	[bflag:$0x2] =	sbarrier.arrive $0xFFFF  }
0x42: {  	[sflag:s0] =	ssyncadd.tile.s32 @!p0 $0x1;
	_ =	shalt  }
.Lfunc_end1:
_tile_overlayer_lowered:
.L_overlay_start_2:
0x43: {  	(tag) =	ssettag $0x2  }
0x44: {  	s0 =	rddreg [dreg:$0x0];
	s2 =	stileid.u32  }
0x45: {  	s1 =	rddreg [dreg:$0x1];
	p0 =	sne.s32 s2, $0x0  }
0x46: {  	s3 =	rddreg [dreg:$0x2];
	[bflag:$0x3] =	sbarrier.arrive $0xFFFF;
	s2 =	simm.s32 @!p0 $0x1C01  }
0x47: {  	[timem:s3], [sflag:s2] =	dma.local @!p0 [hbm:s0], s1  }
0x48: {  	s0 =	simm.s32 @!p0 $0x1  }
0x49: {  	_ =	swait.ge @!p0 [sflag:s0], s1  }
0x4a: {  	s1 =	ssub.s32 @!p0 $0x0, s1;
	[sflag:s0] =	ssyncset.done @!p0 $0x0  }
0x4b: {  	[sflag:s0] =	ssyncadd.s32 @!p0 s1  }
0x4c: {  	[bflag:$0x3] =	sbarrier.arrive $0xFFFF  }
0x4d: {  	_ =	shalt  }

</sc_bundles>
